<compile_context>
chip_gen: v7x
topology: tpu7x:2x2x1
jax: 0.10.2.dev20260603
libtpu: 0.0.44.dev20260713+nightly
codegen_flags: <defaults>
</compile_context>

<pallas_src>
import functools

import jax
import jax.numpy as jnp
from jax import lax
from jax.experimental import pallas as pl
from jax.experimental.pallas import tpu as pltpu
from jax.experimental.pallas import tpu_sc as plsc

VOCAB = 1000000
EMBED = 64
LANES = 128
BATCH = 4096
WINDOW = 200

TOTAL = 2 * BATCH * WINDOW
NUM_CORES = 2
NUM_SUBCORES = 16
NW = NUM_CORES * NUM_SUBCORES
PER_W = TOTAL // NW
CHUNK = 256
NBUF = 4
GROUP = NBUF * CHUNK
NGROUP = PER_W // GROUP

_mesh = plsc.VectorSubcoreMesh(
    core_axis_name="c", subcore_axis_name="s",
    num_cores=NUM_CORES, num_subcores=NUM_SUBCORES,
)


@functools.partial(
    pl.kernel,
    out_type=jax.ShapeDtypeStruct((TOTAL, LANES), jnp.float32),
    mesh=_mesh,
    scratch_types=[
        pltpu.VMEM((PER_W,), jnp.int32),
        pltpu.VMEM((NBUF, CHUNK, EMBED), jnp.float32),
        pltpu.SemaphoreType.DMA,
        pltpu.SemaphoreType.DMA,
    ],
    compiler_params=pltpu.CompilerParams(use_tc_tiling_on_sc=False),
)
def _gather_all(table_hbm, idx_hbm, out_hbm, idx_v, rows_v, sem_g, sem_s):
    wid = lax.axis_index("s") * NUM_CORES + lax.axis_index("c")
    base = wid * PER_W
    pltpu.sync_copy(idx_hbm.at[pl.ds(base, PER_W)], idx_v)

    def group(g, carry):
        goff = g * GROUP
        gat = [
            pltpu.async_copy(
                table_hbm.at[idx_v.at[pl.ds(goff + b * CHUNK, CHUNK)]],
                rows_v.at[b], sem_g)
            for b in range(NBUF)
        ]
        sto = []
        for b in range(NBUF):
            gat[b].wait()
            sto.append(pltpu.async_copy(
                rows_v.at[b],
                out_hbm.at[pl.ds(base + goff + b * CHUNK, CHUNK),
                           pl.ds(0, EMBED)], sem_s))
        for d in sto:
            d.wait()
        return carry

    lax.fori_loop(0, NGROUP, group, 0)


def kernel(inputs, labels, E):
    idx = jnp.concatenate(
        [inputs.reshape(-1), labels.reshape(-1)]).astype(jnp.int32)
    out = _gather_all(E, idx)
    return out[:, :EMBED].reshape(2, BATCH, WINDOW, EMBED)

# --- scband reference (transcript-rebuilt; emitter-appended) ---
"""Pipeline reference for scband-model-90288802496658 (READ-ONLY COPY).

The authoritative reference and input builder live on the scoring server;
editing this copy changes nothing except your own understanding.
"""

import jax, jax.numpy as jnp
import numpy as np

VOCAB = 1000000
EMBED = 64
BATCH = 4096
WINDOW = 200

def setup_inputs(seed: int = 0) -> dict:
    key = jax.random.key(seed)
    k1, k2, k3 = jax.random.split(key, 3)
    inputs = jax.random.randint(k1, (BATCH, WINDOW), 0, VOCAB, dtype=jnp.int64) if jax.config.jax_enable_x64 else jax.random.randint(k1, (BATCH, WINDOW), 0, VOCAB)
    labels = jax.random.randint(k2, (BATCH, WINDOW), 0, VOCAB)
    # E = tf.random.truncated_normal([vocab, embed], stddev=0.1)
    E = jax.random.truncated_normal(k3, -2.0, 2.0, (VOCAB, EMBED), dtype=jnp.float32) * 0.1
    return {"inputs": inputs, "labels": labels, "E": E}

def reference(inputs, labels, E):
    # tf.nn.embedding_lookup(self.E, inputs) / tf.nn.embedding_lookup(self.E, labels)
    input_embeddings = jnp.take(E, inputs, axis=0)
    label_embeddings = jnp.take(E, labels, axis=0)
    # Original call() returns None after computing the lookups; we return the
    # computed lookup tensors (stacked) so the op is observable/benchmarkable.
    return jnp.stack([input_embeddings, label_embeddings], axis=0)

if __name__ == "__main__":
    import jax
    _d = setup_inputs()
    print(jax.jit(kernel)(*tuple(_d.values())))

</pallas_src>

<mosaic_0001>
#map = affine_map<(d0, d1) -> (0, 0)>
#map1 = affine_map<(d0, d1) -> (0)>
module attributes {stable_mosaic.version = 14 : i64} {
  func.func @_gather_all(%arg0: i32, %arg1: i32, %arg2: memref<1000000x64xf32, #tpu.memory_space<hbm>>, %arg3: memref<1638400xi32, #tpu.memory_space<hbm>>, %arg4: memref<1638400x128xf32, #tpu.memory_space<hbm>>, %arg5: memref<51200xi32, #tpu.memory_space<vmem>>, %arg6: memref<4x256x64xf32, #tpu.memory_space<vmem>>, %arg7: memref<!tpu.dma_semaphore, #tpu.memory_space<semaphore_mem>>, %arg8: memref<!tpu.dma_semaphore, #tpu.memory_space<semaphore_mem>>) attributes {dimension_semantics = [#tpu.dimension_semantics<core_parallel>, #tpu.dimension_semantics<subcore_parallel>], iteration_bounds = array<i64: 2, 16>, scalar_prefetch = 0 : i64, scratch_operands = 4 : i64, tpu.core_type = #tpu.core_type<sc_vector_subcore>, window_params = [{transform_indices = #map}, {transform_indices = #map1}, {transform_indices = #map}]} {
    %mul3A = arith.constant 2 : i32
    %mul3A_0 = arith.muli %arg1, %mul3A : i32
    %add3A = arith.addi %mul3A_0, %arg0 : i32
    %mul3A_1 = arith.constant 51200 : i32
    %mul3A_2 = arith.muli %add3A, %mul3A_1 : i32
    "tpu.region"() ({
      %run_scoped3A = tpu.sem_alloc : memref<!tpu.dma_semaphore, #tpu.memory_space<semaphore_mem>>
      %dma_start3A = tpu.memref_slice %arg3[%mul3A_2] : memref<1638400xi32, #tpu.memory_space<hbm>> -> memref<51200xi32, #tpu.memory_space<hbm>>
      %dma_start3A_8 = tpu.memref_slice %arg3[%mul3A_2] : memref<1638400xi32, #tpu.memory_space<hbm>> -> memref<51200xi32, #tpu.memory_space<hbm>>
      tpu.enqueue_dma source(%dma_start3A_8 : memref<51200xi32, #tpu.memory_space<hbm>>) target(%arg5 : memref<51200xi32, #tpu.memory_space<vmem>>) target_semaphore(%run_scoped3A : memref<!tpu.dma_semaphore, #tpu.memory_space<semaphore_mem>>)
      %dma_wait3A = tpu.memref_slice %arg3[%mul3A_2] : memref<1638400xi32, #tpu.memory_space<hbm>> -> memref<51200xi32, #tpu.memory_space<hbm>>
      %dma_wait3A_9 = tpu.memref_slice %arg3[%mul3A_2] : memref<1638400xi32, #tpu.memory_space<hbm>> -> memref<51200xi32, #tpu.memory_space<hbm>>
      tpu.wait_dma2 semaphore(%run_scoped3A : memref<!tpu.dma_semaphore, #tpu.memory_space<semaphore_mem>>) src(%dma_wait3A_9 : memref<51200xi32, #tpu.memory_space<hbm>>) dst(%arg5 : memref<51200xi32, #tpu.memory_space<vmem>>)
      tpu.yield
    }) : () -> ()
    %scan3A = arith.constant 0 : i32
    %scan3A_3 = arith.constant 0 : i32
    %scan3A_4 = arith.constant 50 : i32
    %scan3A_5 = arith.addi %scan3A_3, %scan3A_4 : i32
    %scan3A_6 = arith.constant 1 : i32
    scf.for %scan3A_8 = %scan3A_3 to %scan3A_5 step %scan3A_6  : i32 {
      %mul3A_9 = arith.constant 1024 : i32
      %mul3A_10 = arith.muli %scan3A_8, %mul3A_9 : i32
      %add3A_11 = arith.constant 0 : i32
      %add3A_12 = arith.addi %mul3A_10, %add3A_11 : i32
      %dma_start3A = arith.constant 0 : i32
      %dma_start3A_13 = arith.constant 0 : i32
      %dma_start3A_14 = arith.constant 0 : i32
      %dma_start3A_15 = tpu.memref_slice %arg6[%dma_start3A, %dma_start3A_13, %dma_start3A_14] : memref<4x256x64xf32, #tpu.memory_space<vmem>> -> memref<1x256x64xf32, #tpu.memory_space<vmem>>
      %dma_start3A_16 = tpu.memref_squeeze %dma_start3A_15 : memref<1x256x64xf32, #tpu.memory_space<vmem>> -> memref<256x64xf32, #tpu.memory_space<vmem>>
      %dma_start3A_17 = tpu.memref_slice %arg5[%add3A_12] : memref<51200xi32, #tpu.memory_space<vmem>> -> memref<256xi32, #tpu.memory_space<vmem>>
      %dma_start3A_18 = arith.constant 0 : i32
      %dma_start3A_19 = arith.constant 0 : i32
      %dma_start3A_20 = tpu.memref_slice %arg2[%dma_start3A_18, %dma_start3A_19] : memref<1000000x64xf32, #tpu.memory_space<hbm>> -> memref<1000000x64xf32, #tpu.memory_space<hbm>>
      tpu.enqueue_indirect_dma source(%dma_start3A_20 : memref<1000000x64xf32, #tpu.memory_space<hbm>>) target(%dma_start3A_16 : memref<256x64xf32, #tpu.memory_space<vmem>>) offsets(%dma_start3A_17 : memref<256xi32, #tpu.memory_space<vmem>>) semaphore(%arg7 : memref<!tpu.dma_semaphore, #tpu.memory_space<semaphore_mem>>)
      %add3A_21 = arith.constant 256 : i32
      %add3A_22 = arith.addi %mul3A_10, %add3A_21 : i32
      %dma_start3A_23 = arith.constant 1 : i32
      %dma_start3A_24 = arith.constant 0 : i32
      %dma_start3A_25 = arith.constant 0 : i32
      %dma_start3A_26 = tpu.memref_slice %arg6[%dma_start3A_23, %dma_start3A_24, %dma_start3A_25] : memref<4x256x64xf32, #tpu.memory_space<vmem>> -> memref<1x256x64xf32, #tpu.memory_space<vmem>>
      %dma_start3A_27 = tpu.memref_squeeze %dma_start3A_26 : memref<1x256x64xf32, #tpu.memory_space<vmem>> -> memref<256x64xf32, #tpu.memory_space<vmem>>
      %dma_start3A_28 = tpu.memref_slice %arg5[%add3A_22] : memref<51200xi32, #tpu.memory_space<vmem>> -> memref<256xi32, #tpu.memory_space<vmem>>
      %dma_start3A_29 = arith.constant 0 : i32
      %dma_start3A_30 = arith.constant 0 : i32
      %dma_start3A_31 = tpu.memref_slice %arg2[%dma_start3A_29, %dma_start3A_30] : memref<1000000x64xf32, #tpu.memory_space<hbm>> -> memref<1000000x64xf32, #tpu.memory_space<hbm>>
      tpu.enqueue_indirect_dma source(%dma_start3A_31 : memref<1000000x64xf32, #tpu.memory_space<hbm>>) target(%dma_start3A_27 : memref<256x64xf32, #tpu.memory_space<vmem>>) offsets(%dma_start3A_28 : memref<256xi32, #tpu.memory_space<vmem>>) semaphore(%arg7 : memref<!tpu.dma_semaphore, #tpu.memory_space<semaphore_mem>>)
      %add3A_32 = arith.constant 512 : i32
      %add3A_33 = arith.addi %mul3A_10, %add3A_32 : i32
      %dma_start3A_34 = arith.constant 2 : i32
      %dma_start3A_35 = arith.constant 0 : i32
      %dma_start3A_36 = arith.constant 0 : i32
      %dma_start3A_37 = tpu.memref_slice %arg6[%dma_start3A_34, %dma_start3A_35, %dma_start3A_36] : memref<4x256x64xf32, #tpu.memory_space<vmem>> -> memref<1x256x64xf32, #tpu.memory_space<vmem>>
      %dma_start3A_38 = tpu.memref_squeeze %dma_start3A_37 : memref<1x256x64xf32, #tpu.memory_space<vmem>> -> memref<256x64xf32, #tpu.memory_space<vmem>>
      %dma_start3A_39 = tpu.memref_slice %arg5[%add3A_33] : memref<51200xi32, #tpu.memory_space<vmem>> -> memref<256xi32, #tpu.memory_space<vmem>>
      %dma_start3A_40 = arith.constant 0 : i32
      %dma_start3A_41 = arith.constant 0 : i32
      %dma_start3A_42 = tpu.memref_slice %arg2[%dma_start3A_40, %dma_start3A_41] : memref<1000000x64xf32, #tpu.memory_space<hbm>> -> memref<1000000x64xf32, #tpu.memory_space<hbm>>
      tpu.enqueue_indirect_dma source(%dma_start3A_42 : memref<1000000x64xf32, #tpu.memory_space<hbm>>) target(%dma_start3A_38 : memref<256x64xf32, #tpu.memory_space<vmem>>) offsets(%dma_start3A_39 : memref<256xi32, #tpu.memory_space<vmem>>) semaphore(%arg7 : memref<!tpu.dma_semaphore, #tpu.memory_space<semaphore_mem>>)
      %add3A_43 = arith.constant 768 : i32
      %add3A_44 = arith.addi %mul3A_10, %add3A_43 : i32
      %dma_start3A_45 = arith.constant 3 : i32
      %dma_start3A_46 = arith.constant 0 : i32
      %dma_start3A_47 = arith.constant 0 : i32
      %dma_start3A_48 = tpu.memref_slice %arg6[%dma_start3A_45, %dma_start3A_46, %dma_start3A_47] : memref<4x256x64xf32, #tpu.memory_space<vmem>> -> memref<1x256x64xf32, #tpu.memory_space<vmem>>
      %dma_start3A_49 = tpu.memref_squeeze %dma_start3A_48 : memref<1x256x64xf32, #tpu.memory_space<vmem>> -> memref<256x64xf32, #tpu.memory_space<vmem>>
      %dma_start3A_50 = tpu.memref_slice %arg5[%add3A_44] : memref<51200xi32, #tpu.memory_space<vmem>> -> memref<256xi32, #tpu.memory_space<vmem>>
      %dma_start3A_51 = arith.constant 0 : i32
      %dma_start3A_52 = arith.constant 0 : i32
      %dma_start3A_53 = tpu.memref_slice %arg2[%dma_start3A_51, %dma_start3A_52] : memref<1000000x64xf32, #tpu.memory_space<hbm>> -> memref<1000000x64xf32, #tpu.memory_space<hbm>>
      tpu.enqueue_indirect_dma source(%dma_start3A_53 : memref<1000000x64xf32, #tpu.memory_space<hbm>>) target(%dma_start3A_49 : memref<256x64xf32, #tpu.memory_space<vmem>>) offsets(%dma_start3A_50 : memref<256xi32, #tpu.memory_space<vmem>>) semaphore(%arg7 : memref<!tpu.dma_semaphore, #tpu.memory_space<semaphore_mem>>)
      %dma_wait3A = arith.constant 0 : i32
      %dma_wait3A_54 = arith.constant 0 : i32
      %dma_wait3A_55 = arith.constant 0 : i32
      %dma_wait3A_56 = tpu.memref_slice %arg6[%dma_wait3A, %dma_wait3A_54, %dma_wait3A_55] : memref<4x256x64xf32, #tpu.memory_space<vmem>> -> memref<1x256x64xf32, #tpu.memory_space<vmem>>
      %dma_wait3A_57 = tpu.memref_squeeze %dma_wait3A_56 : memref<1x256x64xf32, #tpu.memory_space<vmem>> -> memref<256x64xf32, #tpu.memory_space<vmem>>
      %dma_wait3A_58 = tpu.memref_slice %arg5[%add3A_12] : memref<51200xi32, #tpu.memory_space<vmem>> -> memref<256xi32, #tpu.memory_space<vmem>>
      %dma_wait3A_59 = arith.constant 0 : i32
      %dma_wait3A_60 = arith.constant 0 : i32
      %dma_wait3A_61 = tpu.memref_slice %arg2[%dma_wait3A_59, %dma_wait3A_60] : memref<1000000x64xf32, #tpu.memory_space<hbm>> -> memref<1000000x64xf32, #tpu.memory_space<hbm>>
      tpu.wait_indirect_dma semaphore(%arg7 : memref<!tpu.dma_semaphore, #tpu.memory_space<semaphore_mem>>) src(%dma_wait3A_61 : memref<1000000x64xf32, #tpu.memory_space<hbm>>) dst(%dma_wait3A_57 : memref<256x64xf32, #tpu.memory_space<vmem>>)
      %add3A_62 = arith.addi %mul3A_2, %mul3A_10 : i32
      %add3A_63 = arith.constant 0 : i32
      %add3A_64 = arith.addi %add3A_62, %add3A_63 : i32
      %dma_start3A_65 = arith.constant 0 : i32
      %dma_start3A_66 = arith.constant 0 : i32
      %dma_start3A_67 = arith.constant 0 : i32
      %dma_start3A_68 = tpu.memref_slice %arg6[%dma_start3A_65, %dma_start3A_66, %dma_start3A_67] : memref<4x256x64xf32, #tpu.memory_space<vmem>> -> memref<1x256x64xf32, #tpu.memory_space<vmem>>
      %dma_start3A_69 = tpu.memref_squeeze %dma_start3A_68 : memref<1x256x64xf32, #tpu.memory_space<vmem>> -> memref<256x64xf32, #tpu.memory_space<vmem>>
      %dma_start3A_70 = arith.constant 0 : i32
      %dma_start3A_71 = tpu.memref_slice %arg4[%add3A_64, %dma_start3A_70] : memref<1638400x128xf32, #tpu.memory_space<hbm>> -> memref<256x64xf32, #tpu.memory_space<hbm>>
      %dma_start3A_72 = arith.constant 0 : i32
      %dma_start3A_73 = tpu.memref_slice %arg4[%add3A_64, %dma_start3A_72] : memref<1638400x128xf32, #tpu.memory_space<hbm>> -> memref<256x64xf32, #tpu.memory_space<hbm>>
      %dma_start3A_74 = arith.constant 0 : i32
      %dma_start3A_75 = arith.constant 0 : i32
      %dma_start3A_76 = tpu.memref_slice %arg6[%dma_start3A_65, %dma_start3A_74, %dma_start3A_75] : memref<4x256x64xf32, #tpu.memory_space<vmem>> -> memref<1x256x64xf32, #tpu.memory_space<vmem>>
      %dma_start3A_77 = tpu.memref_squeeze %dma_start3A_76 : memref<1x256x64xf32, #tpu.memory_space<vmem>> -> memref<256x64xf32, #tpu.memory_space<vmem>>
      tpu.enqueue_dma source(%dma_start3A_77 : memref<256x64xf32, #tpu.memory_space<vmem>>) target(%dma_start3A_73 : memref<256x64xf32, #tpu.memory_space<hbm>>) target_semaphore(%arg8 : memref<!tpu.dma_semaphore, #tpu.memory_space<semaphore_mem>>)
      %dma_wait3A_78 = arith.constant 1 : i32
      %dma_wait3A_79 = arith.constant 0 : i32
      %dma_wait3A_80 = arith.constant 0 : i32
      %dma_wait3A_81 = tpu.memref_slice %arg6[%dma_wait3A_78, %dma_wait3A_79, %dma_wait3A_80] : memref<4x256x64xf32, #tpu.memory_space<vmem>> -> memref<1x256x64xf32, #tpu.memory_space<vmem>>
      %dma_wait3A_82 = tpu.memref_squeeze %dma_wait3A_81 : memref<1x256x64xf32, #tpu.memory_space<vmem>> -> memref<256x64xf32, #tpu.memory_space<vmem>>
      %dma_wait3A_83 = tpu.memref_slice %arg5[%add3A_22] : memref<51200xi32, #tpu.memory_space<vmem>> -> memref<256xi32, #tpu.memory_space<vmem>>
      %dma_wait3A_84 = arith.constant 0 : i32
      %dma_wait3A_85 = arith.constant 0 : i32
      %dma_wait3A_86 = tpu.memref_slice %arg2[%dma_wait3A_84, %dma_wait3A_85] : memref<1000000x64xf32, #tpu.memory_space<hbm>> -> memref<1000000x64xf32, #tpu.memory_space<hbm>>
      tpu.wait_indirect_dma semaphore(%arg7 : memref<!tpu.dma_semaphore, #tpu.memory_space<semaphore_mem>>) src(%dma_wait3A_86 : memref<1000000x64xf32, #tpu.memory_space<hbm>>) dst(%dma_wait3A_82 : memref<256x64xf32, #tpu.memory_space<vmem>>)
      %add3A_87 = arith.addi %mul3A_2, %mul3A_10 : i32
      %add3A_88 = arith.constant 256 : i32
      %add3A_89 = arith.addi %add3A_87, %add3A_88 : i32
      %dma_start3A_90 = arith.constant 1 : i32
      %dma_start3A_91 = arith.constant 0 : i32
      %dma_start3A_92 = arith.constant 0 : i32
      %dma_start3A_93 = tpu.memref_slice %arg6[%dma_start3A_90, %dma_start3A_91, %dma_start3A_92] : memref<4x256x64xf32, #tpu.memory_space<vmem>> -> memref<1x256x64xf32, #tpu.memory_space<vmem>>
      %dma_start3A_94 = tpu.memref_squeeze %dma_start3A_93 : memref<1x256x64xf32, #tpu.memory_space<vmem>> -> memref<256x64xf32, #tpu.memory_space<vmem>>
      %dma_start3A_95 = arith.constant 0 : i32
      %dma_start3A_96 = tpu.memref_slice %arg4[%add3A_89, %dma_start3A_95] : memref<1638400x128xf32, #tpu.memory_space<hbm>> -> memref<256x64xf32, #tpu.memory_space<hbm>>
      %dma_start3A_97 = arith.constant 0 : i32
      %dma_start3A_98 = tpu.memref_slice %arg4[%add3A_89, %dma_start3A_97] : memref<1638400x128xf32, #tpu.memory_space<hbm>> -> memref<256x64xf32, #tpu.memory_space<hbm>>
      %dma_start3A_99 = arith.constant 0 : i32
      %dma_start3A_100 = arith.constant 0 : i32
      %dma_start3A_101 = tpu.memref_slice %arg6[%dma_start3A_90, %dma_start3A_99, %dma_start3A_100] : memref<4x256x64xf32, #tpu.memory_space<vmem>> -> memref<1x256x64xf32, #tpu.memory_space<vmem>>
      %dma_start3A_102 = tpu.memref_squeeze %dma_start3A_101 : memref<1x256x64xf32, #tpu.memory_space<vmem>> -> memref<256x64xf32, #tpu.memory_space<vmem>>
      tpu.enqueue_dma source(%dma_start3A_102 : memref<256x64xf32, #tpu.memory_space<vmem>>) target(%dma_start3A_98 : memref<256x64xf32, #tpu.memory_space<hbm>>) target_semaphore(%arg8 : memref<!tpu.dma_semaphore, #tpu.memory_space<semaphore_mem>>)
      %dma_wait3A_103 = arith.constant 2 : i32
      %dma_wait3A_104 = arith.constant 0 : i32
      %dma_wait3A_105 = arith.constant 0 : i32
      %dma_wait3A_106 = tpu.memref_slice %arg6[%dma_wait3A_103, %dma_wait3A_104, %dma_wait3A_105] : memref<4x256x64xf32, #tpu.memory_space<vmem>> -> memref<1x256x64xf32, #tpu.memory_space<vmem>>
      %dma_wait3A_107 = tpu.memref_squeeze %dma_wait3A_106 : memref<1x256x64xf32, #tpu.memory_space<vmem>> -> memref<256x64xf32, #tpu.memory_space<vmem>>
      %dma_wait3A_108 = tpu.memref_slice %arg5[%add3A_33] : memref<51200xi32, #tpu.memory_space<vmem>> -> memref<256xi32, #tpu.memory_space<vmem>>
      %dma_wait3A_109 = arith.constant 0 : i32
      %dma_wait3A_110 = arith.constant 0 : i32
      %dma_wait3A_111 = tpu.memref_slice %arg2[%dma_wait3A_109, %dma_wait3A_110] : memref<1000000x64xf32, #tpu.memory_space<hbm>> -> memref<1000000x64xf32, #tpu.memory_space<hbm>>
      tpu.wait_indirect_dma semaphore(%arg7 : memref<!tpu.dma_semaphore, #tpu.memory_space<semaphore_mem>>) src(%dma_wait3A_111 : memref<1000000x64xf32, #tpu.memory_space<hbm>>) dst(%dma_wait3A_107 : memref<256x64xf32, #tpu.memory_space<vmem>>)
      %add3A_112 = arith.addi %mul3A_2, %mul3A_10 : i32
      %add3A_113 = arith.constant 512 : i32
      %add3A_114 = arith.addi %add3A_112, %add3A_113 : i32
      %dma_start3A_115 = arith.constant 2 : i32
      %dma_start3A_116 = arith.constant 0 : i32
      %dma_start3A_117 = arith.constant 0 : i32
      %dma_start3A_118 = tpu.memref_slice %arg6[%dma_start3A_115, %dma_start3A_116, %dma_start3A_117] : memref<4x256x64xf32, #tpu.memory_space<vmem>> -> memref<1x256x64xf32, #tpu.memory_space<vmem>>
      %dma_start3A_119 = tpu.memref_squeeze %dma_start3A_118 : memref<1x256x64xf32, #tpu.memory_space<vmem>> -> memref<256x64xf32, #tpu.memory_space<vmem>>
      %dma_start3A_120 = arith.constant 0 : i32
      %dma_start3A_121 = tpu.memref_slice %arg4[%add3A_114, %dma_start3A_120] : memref<1638400x128xf32, #tpu.memory_space<hbm>> -> memref<256x64xf32, #tpu.memory_space<hbm>>
      %dma_start3A_122 = arith.constant 0 : i32
      %dma_start3A_123 = tpu.memref_slice %arg4[%add3A_114, %dma_start3A_122] : memref<1638400x128xf32, #tpu.memory_space<hbm>> -> memref<256x64xf32, #tpu.memory_space<hbm>>
      %dma_start3A_124 = arith.constant 0 : i32
      %dma_start3A_125 = arith.constant 0 : i32
      %dma_start3A_126 = tpu.memref_slice %arg6[%dma_start3A_115, %dma_start3A_124, %dma_start3A_125] : memref<4x256x64xf32, #tpu.memory_space<vmem>> -> memref<1x256x64xf32, #tpu.memory_space<vmem>>
      %dma_start3A_127 = tpu.memref_squeeze %dma_start3A_126 : memref<1x256x64xf32, #tpu.memory_space<vmem>> -> memref<256x64xf32, #tpu.memory_space<vmem>>
      tpu.enqueue_dma source(%dma_start3A_127 : memref<256x64xf32, #tpu.memory_space<vmem>>) target(%dma_start3A_123 : memref<256x64xf32, #tpu.memory_space<hbm>>) target_semaphore(%arg8 : memref<!tpu.dma_semaphore, #tpu.memory_space<semaphore_mem>>)
      %dma_wait3A_128 = arith.constant 3 : i32
      %dma_wait3A_129 = arith.constant 0 : i32
      %dma_wait3A_130 = arith.constant 0 : i32
      %dma_wait3A_131 = tpu.memref_slice %arg6[%dma_wait3A_128, %dma_wait3A_129, %dma_wait3A_130] : memref<4x256x64xf32, #tpu.memory_space<vmem>> -> memref<1x256x64xf32, #tpu.memory_space<vmem>>
      %dma_wait3A_132 = tpu.memref_squeeze %dma_wait3A_131 : memref<1x256x64xf32, #tpu.memory_space<vmem>> -> memref<256x64xf32, #tpu.memory_space<vmem>>
      %dma_wait3A_133 = tpu.memref_slice %arg5[%add3A_44] : memref<51200xi32, #tpu.memory_space<vmem>> -> memref<256xi32, #tpu.memory_space<vmem>>
      %dma_wait3A_134 = arith.constant 0 : i32
      %dma_wait3A_135 = arith.constant 0 : i32
      %dma_wait3A_136 = tpu.memref_slice %arg2[%dma_wait3A_134, %dma_wait3A_135] : memref<1000000x64xf32, #tpu.memory_space<hbm>> -> memref<1000000x64xf32, #tpu.memory_space<hbm>>
      tpu.wait_indirect_dma semaphore(%arg7 : memref<!tpu.dma_semaphore, #tpu.memory_space<semaphore_mem>>) src(%dma_wait3A_136 : memref<1000000x64xf32, #tpu.memory_space<hbm>>) dst(%dma_wait3A_132 : memref<256x64xf32, #tpu.memory_space<vmem>>)
      %add3A_137 = arith.addi %mul3A_2, %mul3A_10 : i32
      %add3A_138 = arith.constant 768 : i32
      %add3A_139 = arith.addi %add3A_137, %add3A_138 : i32
      %dma_start3A_140 = arith.constant 3 : i32
      %dma_start3A_141 = arith.constant 0 : i32
      %dma_start3A_142 = arith.constant 0 : i32
      %dma_start3A_143 = tpu.memref_slice %arg6[%dma_start3A_140, %dma_start3A_141, %dma_start3A_142] : memref<4x256x64xf32, #tpu.memory_space<vmem>> -> memref<1x256x64xf32, #tpu.memory_space<vmem>>
      %dma_start3A_144 = tpu.memref_squeeze %dma_start3A_143 : memref<1x256x64xf32, #tpu.memory_space<vmem>> -> memref<256x64xf32, #tpu.memory_space<vmem>>
      %dma_start3A_145 = arith.constant 0 : i32
      %dma_start3A_146 = tpu.memref_slice %arg4[%add3A_139, %dma_start3A_145] : memref<1638400x128xf32, #tpu.memory_space<hbm>> -> memref<256x64xf32, #tpu.memory_space<hbm>>
      %dma_start3A_147 = arith.constant 0 : i32
      %dma_start3A_148 = tpu.memref_slice %arg4[%add3A_139, %dma_start3A_147] : memref<1638400x128xf32, #tpu.memory_space<hbm>> -> memref<256x64xf32, #tpu.memory_space<hbm>>
      %dma_start3A_149 = arith.constant 0 : i32
      %dma_start3A_150 = arith.constant 0 : i32
      %dma_start3A_151 = tpu.memref_slice %arg6[%dma_start3A_140, %dma_start3A_149, %dma_start3A_150] : memref<4x256x64xf32, #tpu.memory_space<vmem>> -> memref<1x256x64xf32, #tpu.memory_space<vmem>>
      %dma_start3A_152 = tpu.memref_squeeze %dma_start3A_151 : memref<1x256x64xf32, #tpu.memory_space<vmem>> -> memref<256x64xf32, #tpu.memory_space<vmem>>
      tpu.enqueue_dma source(%dma_start3A_152 : memref<256x64xf32, #tpu.memory_space<vmem>>) target(%dma_start3A_148 : memref<256x64xf32, #tpu.memory_space<hbm>>) target_semaphore(%arg8 : memref<!tpu.dma_semaphore, #tpu.memory_space<semaphore_mem>>)
      %dma_wait3A_153 = arith.constant 0 : i32
      %dma_wait3A_154 = arith.constant 0 : i32
      %dma_wait3A_155 = arith.constant 0 : i32
      %dma_wait3A_156 = tpu.memref_slice %arg6[%dma_wait3A_153, %dma_wait3A_154, %dma_wait3A_155] : memref<4x256x64xf32, #tpu.memory_space<vmem>> -> memref<1x256x64xf32, #tpu.memory_space<vmem>>
      %dma_wait3A_157 = tpu.memref_squeeze %dma_wait3A_156 : memref<1x256x64xf32, #tpu.memory_space<vmem>> -> memref<256x64xf32, #tpu.memory_space<vmem>>
      %dma_wait3A_158 = arith.constant 0 : i32
      %dma_wait3A_159 = tpu.memref_slice %arg4[%add3A_64, %dma_wait3A_158] : memref<1638400x128xf32, #tpu.memory_space<hbm>> -> memref<256x64xf32, #tpu.memory_space<hbm>>
      %dma_wait3A_160 = arith.constant 0 : i32
      %dma_wait3A_161 = tpu.memref_slice %arg4[%add3A_64, %dma_wait3A_160] : memref<1638400x128xf32, #tpu.memory_space<hbm>> -> memref<256x64xf32, #tpu.memory_space<hbm>>
      %dma_wait3A_162 = arith.constant 0 : i32
      %dma_wait3A_163 = arith.constant 0 : i32
      %dma_wait3A_164 = tpu.memref_slice %arg6[%dma_wait3A_153, %dma_wait3A_162, %dma_wait3A_163] : memref<4x256x64xf32, #tpu.memory_space<vmem>> -> memref<1x256x64xf32, #tpu.memory_space<vmem>>
      %dma_wait3A_165 = tpu.memref_squeeze %dma_wait3A_164 : memref<1x256x64xf32, #tpu.memory_space<vmem>> -> memref<256x64xf32, #tpu.memory_space<vmem>>
      tpu.wait_dma2 semaphore(%arg8 : memref<!tpu.dma_semaphore, #tpu.memory_space<semaphore_mem>>) src(%dma_wait3A_165 : memref<256x64xf32, #tpu.memory_space<vmem>>) dst(%dma_wait3A_161 : memref<256x64xf32, #tpu.memory_space<hbm>>)
      %dma_wait3A_166 = arith.constant 1 : i32
      %dma_wait3A_167 = arith.constant 0 : i32
      %dma_wait3A_168 = arith.constant 0 : i32
      %dma_wait3A_169 = tpu.memref_slice %arg6[%dma_wait3A_166, %dma_wait3A_167, %dma_wait3A_168] : memref<4x256x64xf32, #tpu.memory_space<vmem>> -> memref<1x256x64xf32, #tpu.memory_space<vmem>>
      %dma_wait3A_170 = tpu.memref_squeeze %dma_wait3A_169 : memref<1x256x64xf32, #tpu.memory_space<vmem>> -> memref<256x64xf32, #tpu.memory_space<vmem>>
      %dma_wait3A_171 = arith.constant 0 : i32
      %dma_wait3A_172 = tpu.memref_slice %arg4[%add3A_89, %dma_wait3A_171] : memref<1638400x128xf32, #tpu.memory_space<hbm>> -> memref<256x64xf32, #tpu.memory_space<hbm>>
      %dma_wait3A_173 = arith.constant 0 : i32
      %dma_wait3A_174 = tpu.memref_slice %arg4[%add3A_89, %dma_wait3A_173] : memref<1638400x128xf32, #tpu.memory_space<hbm>> -> memref<256x64xf32, #tpu.memory_space<hbm>>
      %dma_wait3A_175 = arith.constant 0 : i32
      %dma_wait3A_176 = arith.constant 0 : i32
      %dma_wait3A_177 = tpu.memref_slice %arg6[%dma_wait3A_166, %dma_wait3A_175, %dma_wait3A_176] : memref<4x256x64xf32, #tpu.memory_space<vmem>> -> memref<1x256x64xf32, #tpu.memory_space<vmem>>
      %dma_wait3A_178 = tpu.memref_squeeze %dma_wait3A_177 : memref<1x256x64xf32, #tpu.memory_space<vmem>> -> memref<256x64xf32, #tpu.memory_space<vmem>>
      tpu.wait_dma2 semaphore(%arg8 : memref<!tpu.dma_semaphore, #tpu.memory_space<semaphore_mem>>) src(%dma_wait3A_178 : memref<256x64xf32, #tpu.memory_space<vmem>>) dst(%dma_wait3A_174 : memref<256x64xf32, #tpu.memory_space<hbm>>)
      %dma_wait3A_179 = arith.constant 2 : i32
      %dma_wait3A_180 = arith.constant 0 : i32
      %dma_wait3A_181 = arith.constant 0 : i32
      %dma_wait3A_182 = tpu.memref_slice %arg6[%dma_wait3A_179, %dma_wait3A_180, %dma_wait3A_181] : memref<4x256x64xf32, #tpu.memory_space<vmem>> -> memref<1x256x64xf32, #tpu.memory_space<vmem>>
      %dma_wait3A_183 = tpu.memref_squeeze %dma_wait3A_182 : memref<1x256x64xf32, #tpu.memory_space<vmem>> -> memref<256x64xf32, #tpu.memory_space<vmem>>
      %dma_wait3A_184 = arith.constant 0 : i32
      %dma_wait3A_185 = tpu.memref_slice %arg4[%add3A_114, %dma_wait3A_184] : memref<1638400x128xf32, #tpu.memory_space<hbm>> -> memref<256x64xf32, #tpu.memory_space<hbm>>
      %dma_wait3A_186 = arith.constant 0 : i32
      %dma_wait3A_187 = tpu.memref_slice %arg4[%add3A_114, %dma_wait3A_186] : memref<1638400x128xf32, #tpu.memory_space<hbm>> -> memref<256x64xf32, #tpu.memory_space<hbm>>
      %dma_wait3A_188 = arith.constant 0 : i32
      %dma_wait3A_189 = arith.constant 0 : i32
      %dma_wait3A_190 = tpu.memref_slice %arg6[%dma_wait3A_179, %dma_wait3A_188, %dma_wait3A_189] : memref<4x256x64xf32, #tpu.memory_space<vmem>> -> memref<1x256x64xf32, #tpu.memory_space<vmem>>
      %dma_wait3A_191 = tpu.memref_squeeze %dma_wait3A_190 : memref<1x256x64xf32, #tpu.memory_space<vmem>> -> memref<256x64xf32, #tpu.memory_space<vmem>>
      tpu.wait_dma2 semaphore(%arg8 : memref<!tpu.dma_semaphore, #tpu.memory_space<semaphore_mem>>) src(%dma_wait3A_191 : memref<256x64xf32, #tpu.memory_space<vmem>>) dst(%dma_wait3A_187 : memref<256x64xf32, #tpu.memory_space<hbm>>)
      %dma_wait3A_192 = arith.constant 3 : i32
      %dma_wait3A_193 = arith.constant 0 : i32
      %dma_wait3A_194 = arith.constant 0 : i32
      %dma_wait3A_195 = tpu.memref_slice %arg6[%dma_wait3A_192, %dma_wait3A_193, %dma_wait3A_194] : memref<4x256x64xf32, #tpu.memory_space<vmem>> -> memref<1x256x64xf32, #tpu.memory_space<vmem>>
      %dma_wait3A_196 = tpu.memref_squeeze %dma_wait3A_195 : memref<1x256x64xf32, #tpu.memory_space<vmem>> -> memref<256x64xf32, #tpu.memory_space<vmem>>
      %dma_wait3A_197 = arith.constant 0 : i32
      %dma_wait3A_198 = tpu.memref_slice %arg4[%add3A_139, %dma_wait3A_197] : memref<1638400x128xf32, #tpu.memory_space<hbm>> -> memref<256x64xf32, #tpu.memory_space<hbm>>
      %dma_wait3A_199 = arith.constant 0 : i32
      %dma_wait3A_200 = tpu.memref_slice %arg4[%add3A_139, %dma_wait3A_199] : memref<1638400x128xf32, #tpu.memory_space<hbm>> -> memref<256x64xf32, #tpu.memory_space<hbm>>
      %dma_wait3A_201 = arith.constant 0 : i32
      %dma_wait3A_202 = arith.constant 0 : i32
      %dma_wait3A_203 = tpu.memref_slice %arg6[%dma_wait3A_192, %dma_wait3A_201, %dma_wait3A_202] : memref<4x256x64xf32, #tpu.memory_space<vmem>> -> memref<1x256x64xf32, #tpu.memory_space<vmem>>
      %dma_wait3A_204 = tpu.memref_squeeze %dma_wait3A_203 : memref<1x256x64xf32, #tpu.memory_space<vmem>> -> memref<256x64xf32, #tpu.memory_space<vmem>>
      tpu.wait_dma2 semaphore(%arg8 : memref<!tpu.dma_semaphore, #tpu.memory_space<semaphore_mem>>) src(%dma_wait3A_204 : memref<256x64xf32, #tpu.memory_space<vmem>>) dst(%dma_wait3A_200 : memref<256x64xf32, #tpu.memory_space<hbm>>)
    }
    %scan3A_7 = arith.constant 50 : i32
    return
  }
}

</mosaic_0001>

<sc_bundles>
// kernel: kernel.3.cloned.1.call-start
scs
__scs_entry_jumppad:
0x0: {  	(pc) =	sbr.rel $0x88, $3  }
0x1: {  	(tag) =	ssettag $0x0;
	lr =	simm.s32 $0x1  }
0x2: {  	[smem:$0x3F9E] =	sst lr;
	_ =	strace $0xD0000000  }
0x3: {  	_ = 	snop  }
0x4: {  	_ = 	snop  }
0x5: {  	_ = 	snop  }
0x6: {  	_ = 	snop  }
0x7: {  	_ = 	snop  }
__scs_overlays_trampoline_lowered:
0x8: {  	[smem:$0x3FAD] =	sst s0  }
0x9: {  	[smem:$0x3FAE] =	sst s1  }
0xa: {  	[smem:$0x3FAF] =	sst s2  }
0xb: {  	[smem:$0x3FB0] =	sst s3  }
0xc: {  	[smem:$0x3FB1] =	sst s4  }
0xd: {  	[smem:$0x3FB2] =	sst s5  }
0xe: {  	[smem:$0x3FB3] =	sst s6  }
0xf: {  	[smem:$0x3FB4] =	sst s7  }
0x10: {  	[smem:$0x3FB5] =	sst s8  }
0x11: {  	[smem:$0x3FB6] =	sst s9;
	s0 =	simm.s32 @!p0 $0x0  }
0x12: {  	s1 =	sld [smem:$0x3F9C];
	s0 =	simm.s32 @p0 $0x1  }
0x13: {  	[smem:$0x3FB7] =	sst s0;
	s0 =	simm.s32 @!p1 $0x0  }
0x14: {  	s2 =	sld [smem:$0x3F9B];
	s0 =	simm.s32 @p1 $0x1  }
0x15: {  	[smem:$0x3FB8] =	sst s0;
	s0 =	simm.s32 @!p2 $0x0  }
0x16: {  	s3 =	sld [smem:$0x3FDB];
	s0 =	simm.s32 @p2 $0x1  }
0x17: {  	s4 =	simm.s32 $0x1BF5;
	[smem:$0x3FBA] =	sst s0  }
0x18: {  	s0 =	sld [smem:$0x3F9D];
	_ =	swait.ge [sflag:s4], $0x0  }
0x19: {  	s7 =	sld [smem:$0x3F9E]  }
0x1a: {  	s8 =	sadd.s32 $0xFFFFE003, lr  }
0x1b: {  	s9 =	sadd.s32 $0xFFFFFEF7, lr;
	s5 =	simm.s32 $0xFFFFFFFF;
	p2 =	slt.u32 s8, $0xFFFFF086  }
0x1c: {  	p1 =	slt.u32 s9, $0xF7A;
	s5 =	simm.s32 @!p2 $0x0  }
0x1d: {  	s5 =	simm.s32 @p1 $0x1;
	p0 =	seq.s32 s7, s2  }
0x1e: {  	s7 =	smul.u32 @!p0 $0xF7A, s2;
	p2 =	seq.s32 @!p0 s5, $0x0  }
0x1f: {  	s9 =	smul.u32 $0xF7A, s1;
	s8 =	simm.s32 @!p0 $0x1BF5;
	p2 =	por !p2, p0  }
0x20: {  	[sflag:s8] =	ssyncset.s32 @!p0 $0xFFFFF086;
	s6 =	sadd.s32 @!p0 s3, s7;
	s7 =	simm.s32 @!p0 $0x108  }
0x21: {  	s3 =	sadd.s32 s3, s9;
	s6 =	sadd.s32 @!p0 $0x88, s6;
	s7 =	simm.s32 @p2 $0x1082  }
0x22: {  	[simem:s7], [sflag:s8] =	dma.local @!p0 [hbm:s6], $0xF7A  }
0x23: {  	s9 =	sor.u32 $0xD0000000, s2;
	s6 =	simm.s32 $0x108;
	_ =	swait.ge @!p0 [sflag:s8], $0x0  }
0x24: {  	s3 =	sadd.s32 $0x88, s3;
	s6 =	simm.s32 @!p1 $0x1082;
	[sflag:s4] =	ssyncset.s32 $0xFFFFF086  }
0x25: {  	[simem:s6], [sflag:s4] =	dma.local [hbm:s3], $0xF7A  }
0x26: {  	[smem:$0x3F9E] =	sst s1;
	(tag) =	ssettag s2;
	_ =	strace s9  }
0x27: {  	s1 =	sld [smem:$0x3FAE]  }
0x28: {  	s2 =	sld [smem:$0x3FAF]  }
0x29: {  	s4 =	sld [smem:$0x3FB1]  }
0x2a: {  	p0 =	seq.s32 s5, $0x0;
	s5 =	sld [smem:$0x3FB2]  }
0x2b: {  	s6 =	sld [smem:$0x3FB3]  }
0x2c: {  	s7 =	sld [smem:$0x3FB4]  }
0x2d: {  	s3 =	simm.s32 $0x108;
	s8 =	sld [smem:$0x3FB5]  }
0x2e: {  	s3 =	simm.s32 @!p0 $0x1082;
	s9 =	sld [smem:$0x3FB6]  }
0x2f: {  	lr =	sadd.s32 s0, s3;
	s0 =	sld [smem:$0x3FAD]  }
0x30: {  	s3 =	sld [smem:$0x3FB0]  }
0x31: {  	[smem:$0x3FB9] =	sst s10  }
0x32: {  	s10 =	sld [smem:$0x3FB7];
	_ =	sdelay $0x3  }
0x33: {  	p0 =	seq.s32 s10, $0x1;
	s10 =	sld [smem:$0x3FB9];
	_ =	sdelay $0x3  }
0x34: {  	[smem:$0x3FB9] =	sst s10  }
0x35: {  	s10 =	sld [smem:$0x3FB8];
	_ =	sdelay $0x3  }
0x36: {  	p1 =	seq.s32 s10, $0x1;
	s10 =	sld [smem:$0x3FB9];
	_ =	sdelay $0x3  }
0x37: {  	[smem:$0x3FB9] =	sst s10  }
0x38: {  	s10 =	sld [smem:$0x3FBA]  }
0x39: {  	_ = 	snop;
	(pc) =	sbr.ind lr, $3  }
0x3a: {  	_ = 	snop  }
0x3b: {  	_ = 	snop  }
0x3c: {  	p2 =	seq.s32 s10, $0x1;
	s10 =	sld [smem:$0x3FB9]  }
0x3d: {  	_ =	shalt  }
0x3e: {  	_ =	shalt  }
0x3f: {  	_ =	shalt  }
0x40: {  	_ =	shalt  }
0x41: {  	_ =	shalt  }
0x42: {  	_ =	shalt  }
0x43: {  	_ =	shalt  }
0x44: {  	_ =	shalt  }
0x45: {  	_ =	shalt  }
0x46: {  	_ =	shalt  }
0x47: {  	_ =	shalt  }
0x48: {  	_ =	shalt  }
0x49: {  	_ =	shalt  }
0x4a: {  	_ =	shalt  }
0x4b: {  	_ =	shalt  }
0x4c: {  	_ =	shalt  }
0x4d: {  	_ =	shalt  }
0x4e: {  	_ =	shalt  }
0x4f: {  	_ =	shalt  }
0x50: {  	_ =	shalt  }
0x51: {  	_ =	shalt  }
0x52: {  	_ =	shalt  }
0x53: {  	_ =	shalt  }
0x54: {  	_ =	shalt  }
0x55: {  	_ =	shalt  }
0x56: {  	_ =	shalt  }
0x57: {  	_ =	shalt  }
0x58: {  	_ =	shalt  }
0x59: {  	_ =	shalt  }
0x5a: {  	_ =	shalt  }
0x5b: {  	_ =	shalt  }
0x5c: {  	_ =	shalt  }
0x5d: {  	_ =	shalt  }
0x5e: {  	_ =	shalt  }
0x5f: {  	_ =	shalt  }
0x60: {  	_ =	shalt  }
0x61: {  	_ =	shalt  }
0x62: {  	_ =	shalt  }
0x63: {  	_ =	shalt  }
0x64: {  	_ =	shalt  }
0x65: {  	_ =	shalt  }
0x66: {  	_ =	shalt  }
0x67: {  	_ =	shalt  }
0x68: {  	_ =	shalt  }
0x69: {  	_ =	shalt  }
0x6a: {  	_ =	shalt  }
0x6b: {  	_ =	shalt  }
0x6c: {  	_ =	shalt  }
0x6d: {  	_ =	shalt  }
0x6e: {  	_ =	shalt  }
0x6f: {  	_ =	shalt  }
0x70: {  	_ =	shalt  }
0x71: {  	_ =	shalt  }
0x72: {  	_ =	shalt  }
0x73: {  	_ =	shalt  }
0x74: {  	_ =	shalt  }
0x75: {  	_ =	shalt  }
0x76: {  	_ =	shalt  }
0x77: {  	_ =	shalt  }
0x78: {  	_ =	shalt  }
0x79: {  	_ =	shalt  }
0x7a: {  	_ =	shalt  }
0x7b: {  	_ =	shalt  }
0x7c: {  	_ =	shalt  }
0x7d: {  	_ =	shalt  }
0x7e: {  	_ =	shalt  }
0x7f: {  	_ =	shalt  }
0x80: {  	_ =	shalt  }
0x81: {  	_ =	shalt  }
0x82: {  	_ =	shalt  }
0x83: {  	_ =	shalt  }
0x84: {  	_ =	shalt  }
0x85: {  	_ =	shalt  }
0x86: {  	_ =	shalt  }
0x87: {  	_ =	shalt  }
.Lfunc_end0:
.L_simem_size_0:
called_computation.1_lowered:
.L_overlay_start_0:
0x88: {  	s2 =	sld [smem:$0x3FD9]  }
0x89: {  	s3 =	sld [smem:$0x3FFE];
	_ =	sdelay $0x1  }
0x8a: {  	s1 =	srdreg.scid  }
0x8b: {  	s0 =	sand.u32 $0x1, s1  }
0x8c: {  	s17 =	sshll.u32 s0, $0xA;
	s2 =	sadd.s32 s3, s2  }
0x8d: {  	s2 =	sadd.s32 s2, s17  }
0x8e: {  	[smem:$0x3FC5] =	sst s2  }
0x8f: {  	_ = 	snop  }
0x90: {  	s2 =	sld [smem:$0x3FD0];
	(tm) =	ssettm $0x1  }
0x91: {  	s18 =	sld [smem:$0x3FFB];
	_ =	sdelay $0x3  }
0x92: {  	_ =	strace s18  }
0x93: {  	s3 =	sld [smem:$0x3FFC];
	_ =	sdelay $0x3  }
0x94: {  	_ =	strace s3  }
0x95: {  	s3 =	sld [smem:$0x3FFD];
	_ =	sdelay $0x3  }
0x96: {  	_ =	strace s3  }
0x97: {  	_ =	strace $0x8FFFFFFF  }
0x98: {  	s19 =	sld [smem:$0x3FDB];
	_ =	sdelay $0x1  }
0x99: {  	s4 =	simm.s32 $_scs_section_size  }
0x9a: {  	s5 =	simm.s32 $_size__tile_overlayer_lowered;
	s6 =	simm.s32 $_tile_overlayer_lowered  }
0x9b: {  	s22 =	simm.s32 $0x1BFF;
	s21 =	sshll.u32 s6, $0x1;
	s3 =	sadd.s32 s4, s19  }
0x9c: {  	s7 =	simm.s32 $0x0;
	s20 =	sshll.u32 s5, $0x1;
	s5 =	sadd.s32 s21, s3  }
0x9d: {  	[timem:s7], [sflag:s22] =	dma.local [hbm:s5], s20  }
0x9e: {  	_ =	swait.ge [sflag:s22], s20  }
0x9f: {  	s4 =	ssub.s32 $0x0, s20;
	[sflag:s22] =	ssyncset.done $0x0  }
0xa0: {  	[sflag:s22] =	ssyncadd.s32 s4;
	_ =	sdelay $0x1  }
0xa1: {  	s23 =	simm.s32 $0x1B8B  }
0xa2: {  	_ =	swait.ge [sflag:s23], $0x1  }
0xa3: {  	[sflag:s23] =	ssyncset.done $0x0  }
0xa4: {  	s25 =	simm.s32 $0x1B8E;
	s24 =	sld [smem:$0x3FFE];
	[sflag:s23] =	ssyncadd.s32 $0xFFFFFFFF  }
0xa5: {  	s26 =	simm.s32 $execute0_lowered;
	[smem:$0x3FD2] =	sst s25  }
0xa6: {  	s5 =	sshll.u32 s26, $0x1;
	_ =	strace $0x80000046;
	[dreg:$0x1] =	wrdreg $0xFFFFFFFF  }
0xa7: {  	s28 =	simm.s32 $_size_execute0_lowered;
	s3 =	sadd.s32 s3, s5;
	[dreg:$0x0] =	wrdreg $0x0  }
0xa8: {  	s5 =	sshll.u32 s28, $0x1;
	[dreg:$0x2] =	wrdreg s3  }
0xa9: {  	[dreg:$0x3] =	wrdreg s5  }
0xaa: {  	[dreg:$0x4] =	wrdreg $0xC0  }
0xab: {  	_ =	task [dreg:s7], $0x5FFFF  }
0xac: {  	[dreg:$0x1] =	wrdreg $0xFFFFFFFF  }
0xad: {  	[dreg:$0x0] =	wrdreg $0x60  }
0xae: {  	[dreg:$0x2] =	wrdreg s2  }
0xaf: {  	[dreg:$0x3] =	wrdreg s24  }
0xb0: {  	[dreg:$0x4] =	wrdreg $0x9  }
0xb1: {  	_ =	task.clear_ibuf [dreg:s7], $0x5FFFF;
	_ =	strace $0x90000046  }
0xb2: {  	s29 =	simm.s32 $0x9;
	_ =	strace $0x80000048  }
0xb3: {  	_ =	swait.ge [sflag:s29], $0x1  }
0xb4: {  	[sflag:s29] =	ssyncadd.s32 $0xFFFFFFFF  }
0xb5: {  	_ =	strace $0x90000048  }
0xb6: {  	_ =	sfence  }
0xb7: {  	s30 =	sld [smem:$0x0];
	_ =	sdelay $0x2  }
0xb8: {  	s31 =	sshll.u32 s1, $0xD;
	s1 =	sshrl.u32 s1, $0x2  }
0xb9: {  	s3 =	sand.u32 $0x4000, s31;
	s1 =	sadd.s32 s1, s30  }
0xba: {  	s0 =	sor.u32 s3, s0;
	s1 =	sshll.u32 s1, $0x11  }
0xbb: {  	s0 =	sor.u32 s1, s0  }
0xbc: {  	s0 =	sadd.s32 $0x8F2B, s0  }
0xbd: {  	[sflag:s0] =	ssyncadd.remote.s32 $0x1  }
0xbe: {  	_ =	sfence.sel $0xFFFF  }
0xbf: {  	[dreg:$0x0] =	wrdreg $0xFFFFFFFF;
	(pc) =	sbr.abs _section_cstart, $3  }
0xc0: {  	[dreg:$0x1] =	wrdreg $0xFFFFFFFF  }
0xc1: {  	_ =	task.clear_ibuf [dreg:s7], $0x2FFFF;
	_ =	strace $0x9FFFFFFF  }
0xc2: {  	(tm) =	ssettm $0x7FFFFFFF  }
0xc3: {  	_ =	shalt  }
tec
execute0_lowered:
.L_overlay_start_1:
0x0: {  	(tag) =	ssettag $0x1  }
0x1: {  	s2 =	rddreg [dreg:$0x0];
	s1 =	srdreg.scid  }
0x2: {  	s0 =	stileid.u32;
	s4 =	rddreg [dreg:$0x1];
	s3 =	simm.s32 $0x0  }
0x3: {  	s11 =	simm.s32 $0x14800;
	s12 =	simm.s32 $0x18800;
	s13 =	simm.s32 $0x1  }
0x4: {  	s14 =	simm.s32 $0x40;
	s15 =	simm.s32 $0x80;
	s16 =	simm.s32 $0x2  }
0x5: {  	s17 =	simm.s32 $0x0;
	s5 =	sand.u32 $0x1, s1;
	s1 =	rddreg [dreg:$0x2]  }
0x6: {  	s6 =	sshll.u32 s0, $0x1;
	[smem:$0x7FF] =	sst s3;
	s7 =	smul.u32 $0x190000, s0  }
0x7: {  	s6 =	sor.u32 s5, s6;
	s8 =	ssub.s32 $0x2, s5;
	s10 =	smul.u32 $0xC8000, s5  }
0x8: {  	_ =	strace $0x80000047;
	s6 =	smul.u32 $0xC800, s6;
	s9 =	sshrl.u32 s8, $0x1  }
0x9: {  	s30 =	sadd.s32 s7, s4;
	s7 =	simm.s32 $0x3;
	s31 =	ssub.s32 s8, s9  }
0xa: {  	s8 =	simm.s32 $0x100;
	s9 =	simm.s32 $0xC800;
	s6 =	sshrl.u32 s6, $0x3  }
0xb: {  	s5 =	smax.u32 s31, $0x1;
	s29 =	sadd.s32 s6, s4;
	s6 =	sadd.s32 s10, s30  }
0xc: {  	s10 =	simm.s32 $0x10800;
	s4 =	sadd.s32 $0xE00, s29;
	s6 =	sadd.s32 $0x32E00, s6  }
.LBB2_1:
0xd: {  	[tilespmem:s3], [sflag:$0x3] =	stream.linear.gather [hbm4b:s4+s3], $0xC800, $0x38;
	[tilespmem:$0x1C800] =	vst v63  }
0xe: {  	_ =	swait.ge [sflag:s7], $0xC800  }
0xf: {  	[sflag:s7] =	ssyncset.done $0x0  }
0x10: {  	s18 =	simm.s32 $0x0;
	[sflag:s7] =	ssyncadd.s32 $0xFFFF3800  }
0x11: {  	[tilespmem:s9], [sflag:$0x1] =	stream.indirect.gather [hbm4b:s2+s8], $0x40, s18, s8, $0xb8;
	[tilespmem:$0x1C800] =	vst v63  }
0x12: {  	s25 =	simm.s32 $0x100  }
0x13: {  	[tilespmem:s10], [sflag:$0x1] =	stream.indirect.gather [hbm4b:s2+s8], $0x40, s25, s8, $0xb8;
	[tilespmem:$0x1C800] =	vst v63  }
0x14: {  	s26 =	simm.s32 $0x200  }
0x15: {  	[tilespmem:s11], [sflag:$0x1] =	stream.indirect.gather [hbm4b:s2+s8], $0x40, s26, s8, $0xb8;
	[tilespmem:$0x1C800] =	vst v63  }
0x16: {  	s28 =	simm.s32 $0x300  }
0x17: {  	[tilespmem:s12], [sflag:$0x1] =	stream.indirect.gather [hbm4b:s2+s8], $0x40, s28, s8, $0xb8;
	[tilespmem:$0x1C800] =	vst v63  }
0x18: {  	_ =	swait.ge [sflag:s13], $0x4000  }
0x19: {  	[sflag:s13] =	ssyncset.done $0x0  }
0x1a: {  	[sflag:s13] =	ssyncadd.s32 $0xFFFFC000  }
0x1b: {  	[hbm4b:s6+s14] =	stream.strided.scatter [tilespmem:s9], [sflag:$0x2], $0x4000, s15, s14, $0x38;
	[tilespmem:$0x1C800] =	vst v63  }
0x1c: {  	_ =	swait.ge [sflag:s13], $0x4000  }
0x1d: {  	[sflag:s13] =	ssyncset.done $0x0  }
0x1e: {  	s29 =	sadd.s32 $0x1000, s6;
	[sflag:s13] =	ssyncadd.s32 $0xFFFFC000  }
0x1f: {  	[hbm4b:s29+s14] =	stream.strided.scatter [tilespmem:s10], [sflag:$0x2], $0x4000, s15, s14, $0x38;
	[tilespmem:$0x1C800] =	vst v63  }
0x20: {  	_ =	swait.ge [sflag:s13], $0x4000  }
0x21: {  	[sflag:s13] =	ssyncset.done $0x0  }
0x22: {  	s30 =	sadd.s32 $0x2000, s6;
	[sflag:s13] =	ssyncadd.s32 $0xFFFFC000  }
0x23: {  	[hbm4b:s30+s14] =	stream.strided.scatter [tilespmem:s11], [sflag:$0x2], $0x4000, s15, s14, $0x38;
	[tilespmem:$0x1C800] =	vst v63  }
0x24: {  	_ =	swait.ge [sflag:s13], $0x4000  }
0x25: {  	[sflag:s13] =	ssyncset.done $0x0  }
0x26: {  	s31 =	sadd.s32 $0x3000, s6;
	[sflag:s13] =	ssyncadd.s32 $0xFFFFC000  }
0x27: {  	[hbm4b:s31+s14] =	stream.strided.scatter [tilespmem:s12], [sflag:$0x2], $0x4000, s15, s14, $0x38;
	[tilespmem:$0x1C800] =	vst v63  }
0x28: {  	_ =	swait.ge [sflag:s16], $0x4000  }
0x29: {  	[sflag:s16] =	ssyncset.done $0x0  }
0x2a: {  	[sflag:s16] =	ssyncadd.s32 $0xFFFFC000  }
0x2b: {  	_ =	swait.ge [sflag:s16], $0x4000  }
0x2c: {  	[sflag:s16] =	ssyncset.done $0x0  }
0x2d: {  	[sflag:s16] =	ssyncadd.s32 $0xFFFFC000  }
0x2e: {  	_ =	swait.ge [sflag:s16], $0x4000  }
0x2f: {  	[sflag:s16] =	ssyncset.done $0x0  }
0x30: {  	[sflag:s16] =	ssyncadd.s32 $0xFFFFC000  }
0x31: {  	s19 =	simm.s32 $0x1000;
	_ =	swait.ge [sflag:s16], $0x4000  }
0x32: {  	s21 =	simm.s32 $0x2000;
	s18 =	sadd.s32 $0x4000, s6;
	[sflag:s16] =	ssyncset.done $0x0  }
.LBB2_2:
0x33: {  	s22 =	sshra.s32 s19, $0x2  }
0x34: {  	[sflag:s16] =	ssyncadd.s32 $0xFFFFC000;
	s19 =	smov.u32 s21;
	s20 =	sadd.s32 $0x1000, s21  }
0x35: {  	[tilespmem:s9], [sflag:$0x1] =	stream.indirect.gather [hbm4b:s2+s8], $0x40, s22, s8, $0xb8;
	[tilespmem:$0x1C800] =	vst v63  }
0x36: {  	p0 =	sne.s32 s21, $0x31000;
	s21 =	sadd.s32 $0x100, s22  }
0x37: {  	[tilespmem:s10], [sflag:$0x1] =	stream.indirect.gather [hbm4b:s2+s8], $0x40, s21, s8, $0xb8;
	[tilespmem:$0x1C800] =	vst v63  }
0x38: {  	s21 =	sadd.s32 $0x200, s22  }
0x39: {  	[tilespmem:s11], [sflag:$0x1] =	stream.indirect.gather [hbm4b:s2+s8], $0x40, s21, s8, $0xb8;
	[tilespmem:$0x1C800] =	vst v63  }
0x3a: {  	s21 =	sadd.s32 $0x300, s22  }
0x3b: {  	[tilespmem:s12], [sflag:$0x1] =	stream.indirect.gather [hbm4b:s2+s8], $0x40, s21, s8, $0xb8;
	[tilespmem:$0x1C800] =	vst v63  }
0x3c: {  	_ =	swait.ge [sflag:s13], $0x4000  }
0x3d: {  	[sflag:s13] =	ssyncset.done $0x0  }
0x3e: {  	[sflag:s13] =	ssyncadd.s32 $0xFFFFC000  }
0x3f: {  	[hbm4b:s18+s14] =	stream.strided.scatter [tilespmem:s9], [sflag:$0x2], $0x4000, s15, s14, $0x38;
	[tilespmem:$0x1C800] =	vst v63  }
0x40: {  	_ =	swait.ge [sflag:s13], $0x4000  }
0x41: {  	[sflag:s13] =	ssyncset.done $0x0  }
0x42: {  	s21 =	sadd.s32 $0x1000, s18;
	[sflag:s13] =	ssyncadd.s32 $0xFFFFC000  }
0x43: {  	[hbm4b:s21+s14] =	stream.strided.scatter [tilespmem:s10], [sflag:$0x2], $0x4000, s15, s14, $0x38;
	[tilespmem:$0x1C800] =	vst v63  }
0x44: {  	_ =	swait.ge [sflag:s13], $0x4000  }
0x45: {  	[sflag:s13] =	ssyncset.done $0x0  }
0x46: {  	s21 =	sadd.s32 $0x2000, s18;
	[sflag:s13] =	ssyncadd.s32 $0xFFFFC000  }
0x47: {  	[hbm4b:s21+s14] =	stream.strided.scatter [tilespmem:s11], [sflag:$0x2], $0x4000, s15, s14, $0x38;
	[tilespmem:$0x1C800] =	vst v63  }
0x48: {  	_ =	swait.ge [sflag:s13], $0x4000  }
0x49: {  	[sflag:s13] =	ssyncset.done $0x0  }
0x4a: {  	s21 =	sadd.s32 $0x3000, s18;
	[sflag:s13] =	ssyncadd.s32 $0xFFFFC000  }
0x4b: {  	[hbm4b:s21+s14] =	stream.strided.scatter [tilespmem:s12], [sflag:$0x2], $0x4000, s15, s14, $0x38;
	[tilespmem:$0x1C800] =	vst v63  }
0x4c: {  	_ =	swait.ge [sflag:s16], $0x4000  }
0x4d: {  	[sflag:s16] =	ssyncset.done $0x0  }
0x4e: {  	[sflag:s16] =	ssyncadd.s32 $0xFFFFC000  }
0x4f: {  	_ =	swait.ge [sflag:s16], $0x4000  }
0x50: {  	[sflag:s16] =	ssyncset.done $0x0  }
0x51: {  	[sflag:s16] =	ssyncadd.s32 $0xFFFFC000  }
.Ltmp0:
0x52: {  	_ =	swait.ge [sflag:s16], $0x4000;
	(pc) =	sbr.rel @p0 .LBB2_2-.Ltmp0, $4  }
0x53: {  	[sflag:s16] =	ssyncset.done $0x0  }
0x54: {  	[sflag:s16] =	ssyncadd.s32 $0xFFFFC000  }
0x55: {  	_ =	swait.ge [sflag:s16], $0x4000  }
0x56: {  	s18 =	sadd.s32 $0x4000, s18;
	s21 =	smov.u32 s20;
	[sflag:s16] =	ssyncset.done $0x0  }
0x57: {  	s19 =	sshra.s32 s19, $0x2;
	[sflag:s16] =	ssyncadd.s32 $0xFFFFC000  }
0x58: {  	[tilespmem:s9], [sflag:$0x1] =	stream.indirect.gather [hbm4b:s2+s8], $0x40, s19, s8, $0xb8;
	[tilespmem:$0x1C800] =	vst v63  }
0x59: {  	s20 =	sadd.s32 $0x100, s19  }
0x5a: {  	[tilespmem:s10], [sflag:$0x1] =	stream.indirect.gather [hbm4b:s2+s8], $0x40, s20, s8, $0xb8;
	[tilespmem:$0x1C800] =	vst v63  }
0x5b: {  	s28 =	sadd.s32 $0x200, s19  }
0x5c: {  	[tilespmem:s11], [sflag:$0x1] =	stream.indirect.gather [hbm4b:s2+s8], $0x40, s28, s8, $0xb8;
	[tilespmem:$0x1C800] =	vst v63  }
0x5d: {  	s19 =	sadd.s32 $0x300, s19  }
0x5e: {  	[tilespmem:s12], [sflag:$0x1] =	stream.indirect.gather [hbm4b:s2+s8], $0x40, s19, s8, $0xb8;
	[tilespmem:$0x1C800] =	vst v63  }
0x5f: {  	_ =	swait.ge [sflag:s13], $0x4000  }
0x60: {  	[sflag:s13] =	ssyncset.done $0x0  }
0x61: {  	[sflag:s13] =	ssyncadd.s32 $0xFFFFC000  }
0x62: {  	[hbm4b:s18+s14] =	stream.strided.scatter [tilespmem:s9], [sflag:$0x2], $0x4000, s15, s14, $0x38;
	[tilespmem:$0x1C800] =	vst v63  }
0x63: {  	_ =	swait.ge [sflag:s13], $0x4000  }
0x64: {  	[sflag:s13] =	ssyncset.done $0x0  }
0x65: {  	s29 =	sadd.s32 $0x1000, s18;
	[sflag:s13] =	ssyncadd.s32 $0xFFFFC000  }
0x66: {  	[hbm4b:s29+s14] =	stream.strided.scatter [tilespmem:s10], [sflag:$0x2], $0x4000, s15, s14, $0x38;
	[tilespmem:$0x1C800] =	vst v63  }
0x67: {  	_ =	swait.ge [sflag:s13], $0x4000  }
0x68: {  	[sflag:s13] =	ssyncset.done $0x0  }
0x69: {  	s30 =	sadd.s32 $0x2000, s18;
	[sflag:s13] =	ssyncadd.s32 $0xFFFFC000  }
0x6a: {  	[hbm4b:s30+s14] =	stream.strided.scatter [tilespmem:s11], [sflag:$0x2], $0x4000, s15, s14, $0x38;
	[tilespmem:$0x1C800] =	vst v63  }
0x6b: {  	_ =	swait.ge [sflag:s13], $0x4000  }
0x6c: {  	[sflag:s13] =	ssyncset.done $0x0  }
0x6d: {  	s31 =	sadd.s32 $0x3000, s18;
	[sflag:s13] =	ssyncadd.s32 $0xFFFFC000  }
0x6e: {  	[hbm4b:s31+s14] =	stream.strided.scatter [tilespmem:s12], [sflag:$0x2], $0x4000, s15, s14, $0x38;
	[tilespmem:$0x1C800] =	vst v63  }
0x6f: {  	_ =	swait.ge [sflag:s16], $0x4000  }
0x70: {  	[sflag:s16] =	ssyncset.done $0x0  }
0x71: {  	[sflag:s16] =	ssyncadd.s32 $0xFFFFC000  }
0x72: {  	_ =	swait.ge [sflag:s16], $0x4000  }
0x73: {  	[sflag:s16] =	ssyncset.done $0x0  }
0x74: {  	s17 =	sadd.s32 $0x1, s17;
	[sflag:s16] =	ssyncadd.s32 $0xFFFFC000  }
0x75: {  	p0 =	sne.s32 s17, s5;
	_ =	swait.ge [sflag:s16], $0x4000  }
.Ltmp1:
0x76: {  	[sflag:s16] =	ssyncset.done $0x0;
	(pc) =	sbr.rel @p0 .LBB2_1-.Ltmp1, $4  }
0x77: {  	[sflag:s16] =	ssyncadd.s32 $0xFFFFC000  }
0x78: {  	_ =	swait.ge [sflag:s16], $0x4000  }
0x79: {  	[sflag:s16] =	ssyncset.done $0x0  }
0x7a: {  	[sflag:s16] =	ssyncadd.s32 $0xFFFFC000  }
0x7b: {  	_ =	sfence.sel $0x180000  }
0x7c: {  	[bflag:$0x0] =	sbarrier.arrive $0xFFFF  }
0x7d: {  	p0 =	sne.s32 s0, $0x0;
	_ =	strace $0x90000047  }
0x7e: {  	s0 =	sadd.s32 @!p0 $0x100000, s1;
	[bflag:$0x2] =	sbarrier.arrive $0xFFFF  }
0x7f: {  	[sflag:s0] =	ssyncadd.tile.s32 @!p0 $0x1;
	_ =	shalt  }
.Lfunc_end2:
_tile_overlayer_lowered:
.L_overlay_start_2:
0x80: {  	(tag) =	ssettag $0x2  }
0x81: {  	s0 =	rddreg [dreg:$0x0];
	s2 =	stileid.u32  }
0x82: {  	s1 =	rddreg [dreg:$0x1];
	p0 =	sne.s32 s2, $0x0  }
0x83: {  	s3 =	rddreg [dreg:$0x2];
	[bflag:$0x3] =	sbarrier.arrive $0xFFFF;
	s2 =	simm.s32 @!p0 $0x1C03  }
0x84: {  	[timem:s3], [sflag:s2] =	dma.local @!p0 [hbm:s0], s1  }
0x85: {  	s0 =	simm.s32 @!p0 $0x3  }
0x86: {  	_ =	swait.ge @!p0 [sflag:s0], s1  }
0x87: {  	s1 =	ssub.s32 @!p0 $0x0, s1;
	[sflag:s0] =	ssyncset.done @!p0 $0x0  }
0x88: {  	[sflag:s0] =	ssyncadd.s32 @!p0 s1  }
0x89: {  	[bflag:$0x3] =	sbarrier.arrive $0xFFFF  }
0x8a: {  	_ =	shalt  }

// kernel: sparse-core-data-format-call.cloned.1.call-start
scs
called_computation_lowered:
.L_overlay_start_0:
0x0: {  	s2 =	sld [smem:$0x3FD9]  }
0x1: {  	s3 =	sld [smem:$0x3FFE];
	_ =	sdelay $0x1  }
0x2: {  	s1 =	srdreg.scid  }
0x3: {  	s0 =	sand.u32 $0x1, s1  }
0x4: {  	s18 =	sshll.u32 s0, $0xA;
	s2 =	sadd.s32 s3, s2  }
0x5: {  	s2 =	sadd.s32 s2, s18  }
0x6: {  	[smem:$0x3FC5] =	sst s2  }
0x7: {  	_ = 	snop  }
0x8: {  	s2 =	sld [smem:$0x3FD0];
	(tm) =	ssettm $0x1  }
0x9: {  	s19 =	sld [smem:$0x3FFB];
	_ =	sdelay $0x3  }
0xa: {  	_ =	strace s19  }
0xb: {  	s3 =	sld [smem:$0x3FFC];
	_ =	sdelay $0x3  }
0xc: {  	_ =	strace s3  }
0xd: {  	s3 =	sld [smem:$0x3FFD];
	_ =	sdelay $0x3  }
0xe: {  	_ =	strace s3  }
0xf: {  	_ =	strace $0x8FFFFFFF  }
0x10: {  	s20 =	sld [smem:$0x3FDB];
	_ =	sdelay $0x1  }
0x11: {  	s4 =	simm.s32 $_scs_section_size  }
0x12: {  	s5 =	simm.s32 $_size__tile_overlayer_lowered;
	s6 =	simm.s32 $_tile_overlayer_lowered  }
0x13: {  	s23 =	simm.s32 $0x1BFF;
	s22 =	sshll.u32 s6, $0x1;
	s3 =	sadd.s32 s4, s20  }
0x14: {  	s7 =	simm.s32 $0x0;
	s21 =	sshll.u32 s5, $0x1;
	s5 =	sadd.s32 s22, s3  }
0x15: {  	[timem:s7], [sflag:s23] =	dma.local [hbm:s5], s21  }
0x16: {  	_ =	swait.ge [sflag:s23], s21  }
0x17: {  	s4 =	ssub.s32 $0x0, s21;
	[sflag:s23] =	ssyncset.done $0x0  }
0x18: {  	[sflag:s23] =	ssyncadd.s32 s4;
	_ =	sdelay $0x1  }
0x19: {  	s24 =	simm.s32 $0x1B8B  }
0x1a: {  	_ =	swait.ge [sflag:s24], $0x1  }
0x1b: {  	[sflag:s24] =	ssyncset.done $0x0  }
0x1c: {  	s26 =	simm.s32 $0x1B8E;
	s25 =	sld [smem:$0x3FFE];
	[sflag:s24] =	ssyncadd.s32 $0xFFFFFFFF  }
0x1d: {  	s27 =	simm.s32 $execute0_lowered;
	[smem:$0x3FD2] =	sst s26  }
0x1e: {  	s5 =	sshll.u32 s27, $0x1;
	_ =	strace $0x80000049;
	[dreg:$0x1] =	wrdreg $0xFFFFFFFF  }
0x1f: {  	s28 =	simm.s32 $_size_execute0_lowered;
	s3 =	sadd.s32 s3, s5;
	[dreg:$0x0] =	wrdreg $0x0  }
0x20: {  	s5 =	sshll.u32 s28, $0x1;
	[dreg:$0x2] =	wrdreg s3  }
0x21: {  	[dreg:$0x3] =	wrdreg s5  }
0x22: {  	[dreg:$0x4] =	wrdreg $0xC0  }
0x23: {  	_ =	task [dreg:s7], $0x5FFFF  }
0x24: {  	[dreg:$0x1] =	wrdreg $0xFFFFFFFF  }
0x25: {  	[dreg:$0x0] =	wrdreg $0x60  }
0x26: {  	[dreg:$0x2] =	wrdreg s25  }
0x27: {  	[dreg:$0x3] =	wrdreg s2  }
0x28: {  	[dreg:$0x4] =	wrdreg $0x9  }
0x29: {  	_ =	task.clear_ibuf [dreg:s7], $0x5FFFF;
	_ =	strace $0x90000049  }
0x2a: {  	s29 =	simm.s32 $0x9;
	_ =	strace $0x8000004B  }
0x2b: {  	_ =	swait.ge [sflag:s29], $0x1  }
0x2c: {  	[sflag:s29] =	ssyncadd.s32 $0xFFFFFFFF  }
0x2d: {  	_ =	strace $0x9000004B  }
0x2e: {  	_ =	sfence  }
0x2f: {  	s30 =	sld [smem:$0x0];
	_ =	sdelay $0x2  }
0x30: {  	s31 =	sshll.u32 s1, $0xD;
	s1 =	sshrl.u32 s1, $0x2  }
0x31: {  	s3 =	sand.u32 $0x4000, s31;
	s1 =	sadd.s32 s1, s30  }
0x32: {  	s0 =	sor.u32 s3, s0;
	s1 =	sshll.u32 s1, $0x11  }
0x33: {  	s0 =	sor.u32 s1, s0  }
0x34: {  	s0 =	sadd.s32 $0x8F2B, s0  }
0x35: {  	[sflag:s0] =	ssyncadd.remote.s32 $0x1  }
0x36: {  	_ =	sfence.sel $0xFFFF  }
0x37: {  	[dreg:$0x0] =	wrdreg $0xFFFFFFFF;
	(pc) =	sbr.abs _section_cstart, $3  }
0x38: {  	[dreg:$0x1] =	wrdreg $0xFFFFFFFF  }
0x39: {  	_ =	task.clear_ibuf [dreg:s7], $0x2FFFF;
	_ =	strace $0x9FFFFFFF  }
0x3a: {  	(tm) =	ssettm $0x7FFFFFFF  }
0x3b: {  	_ =	shalt  }
tec
execute0_lowered:
.L_overlay_start_1:
0x0: {  	(tag) =	ssettag $0x1  }
0x1: {  	s0 =	stileid.u32;
	s1 =	srdreg.scid  }
0x2: {  	s2 =	sshll.u32 s0, $0x6;
	s1 =	sshll.u32 s1, $0xA  }
0x3: {  	s1 =	sor.u32 s2, s1  }
0x4: {  	s7 =	rddreg [dreg:$0x0];
	s1 =	sand.u32 $0x780, s1  }
0x5: {  	s8 =	simm.s32 $0x2;
	s2 =	sand.u32 $0x1, s0;
	s3 =	ssub.s32 $0x1000, s1  }
0x6: {  	s14 =	simm.s32 $0x0;
	s4 =	ssub.s32 $0x2, s2;
	s5 =	sand.u32 $0x780, s3  }
0x7: {  	s6 =	sshrl.u32 s4, $0x1;
	p0 =	sne.s32 s5, $0x0;
	s5 =	simm.s32 $0x1  }
0x8: {  	s4 =	sand.u32 $0x1, s4;
	s3 =	sshrl.u32 s3, $0xB;
	s5 =	simm.s32 @!p0 $0x0  }
0x9: {  	s9 =	simm.s32 $0x8000;
	s6 =	sadd.s32 s4, s6;
	s3 =	sadd.s32 s5, s3  }
0xa: {  	s15 =	simm.s32 $0x0;
	s16 =	simm.s32 $0x0;
	s6 =	smul.u32 s3, s6  }
.Ltmp0:
0xb: {  	s10 =	simm.s32 $0x0;
	s13 =	simm.s32 $0x0;
	(pc) =	sbr.rel .LBB1_1-.Ltmp0, $4  }
0xc: {  	s7 =	sadd.s32 $0x32E00, s7;
	s4 =	rddreg [dreg:$0x1];
	s5 =	simm.s32 $0x1  }
0xd: {  	s3 =	rddreg [dreg:$0x2];
	_ =	strace $0x8000004A;
	s6 =	smul.u32 $0xC8, s6  }
0xe: {  	s12 =	smov.u32 s2;
	s11 =	smov.u32 s1;
	[sflag:s5] =	ssyncpa.u1 $0x0  }
0xf: {  	p0 =	por $0x0, $0x0;
	[sflag:s8] =	ssyncpa.u1 $0x0;
	s8 =	sor.u32 $0x1, s6  }
.LBB1_4:
0x10: {  	s16 =	smul.u32 $0x640000, s16  }
0x11: {  	s19 =	sshll.u32 s15, $0x3;
	s20 =	sand.u32 $0x78, s15;
	s30 =	sand.u32 $0x7E00, s15  }
0x12: {  	s14 =	sshll.u32 s14, $0xF;
	s19 =	sand.u32 $0xC00, s19;
	s16 =	sadd.s32 s4, s16  }
0x13: {  	[tilespmem:s18+$0x810 ss:$0x81] =	vst.msk $0xffff, v2;
	s31 =	sand.u32 $0x7, s15;
	s19 =	sor.u32 s20, s19;
	s16 =	sadd.s32 s30, s16  }
0x14: {  	[tilespmem:s18+$0x1020 ss:$0x81] =	vst.msk $0xffff, v0;
	s15 =	sshll.u32 s31, $0x12;
	s19 =	sshrl.u32 s19, $0x3;
	s14 =	sadd.s32 s14, s16  }
0x15: {  	[tilespmem:s18+$0x0 ss:$0x81] =	vst.msk $0xffff, v1;
	s15 =	sor.u32 $0x400, s15;
	s14 =	sadd.s32 s19, s14  }
0x16: {  	[hbm4b:s14+s15] =	stream.strided.scatter [tilespmem:s17], [sflag:$0x2], $0x2000, s9, s15, $0x20;
	[tilespmem:$0x8080] =	vst v63  }
.LBB1_5:
0x17: {  	s17 =	sadd.s32 $0x1, s10  }
0x18: {  	s14 =	sadd.s32 $0x800, s11;
	s18 =	smov.u32 s11;
	p2 =	sgt.s32 s17, $0xC7  }
0x19: {  	s18 =	smov.u32 @p2 s14  }
0x1a: {  	s20 =	smov.u32 s12;
	s14 =	sadd.s32 $0x2, s12;
	p3 =	sgt.s32 s18, $0xFFF  }
0x1b: {  	s20 =	smov.u32 @p3 s14  }
0x1c: {  	s17 =	simm.s32 @p2 $0x0;
	p2 =	sgt.s32 s20, $0x1  }
0x1d: {  	p1 =	slt.u32 s13, $0x2;
	s20 =	smov.u32 @p2 s2;
	p2 =	sne.s32 s13, s8  }
.Ltmp1:
0x1e: {  	s19 =	simm.s32 @!p1 $0x2;
	(pc) =	sbr.rel @!p2 .LBB1_6-.Ltmp1, $4  }
0x1f: {  	s15 =	smov.u32 s11;
	s16 =	smov.u32 s12;
	_ =	swait.ge @!p1 [sflag:s19], $0x2000  }
0x20: {  	p0 =	por !p0, !p0;
	[sflag:s19] =	ssyncset.done @!p1 $0x0;
	s18 =	smov.u32 @p3 s1  }
0x21: {  	s14 =	smov.u32 s10;
	[sflag:s19] =	ssyncadd.s32 @!p1 $0xFFFFE000;
	s10 =	smov.u32 s17  }
0x22: {  	s11 =	smov.u32 s18;
	s13 =	sadd.s32 $0x1, s13;
	s12 =	smov.u32 s20  }
.LBB1_1:
0x23: {  	p1 =	sge.u32 s13, s6  }
0x24: {  	s17 =	sand.u32 @!p1 $0x1FFFFFF, s10;
	s19 =	smul.u32 @!p1 $0xC80000, s12  }
0x25: {  	s18 =	smulhi.u32 @!p1 $0x147AE15, s17  }
0x26: {  	s21 =	smul.u32 @!p1 $0xC80, s11  }
0x27: {  	s18 =	smul.u32 @!p1 $0xC8, s18  }
0x28: {  	s31 =	sadd.s32 $0xFFFFFFFF, s13;
	s19 =	sadd.s32 @!p1 s7, s19  }
0x29: {  	s20 =	sxor.u32 @!p1 $0xFFFFFFFF, s13;
	s19 =	sadd.s32 @!p1 s21, s19;
	s17 =	ssub.s32 @!p1 s17, s18  }
0x2a: {  	s18 =	sshll.u32 @!p1 s20, $0xD;
	s20 =	simm.s32 @!p1 $0x6400;
	s17 =	sshll.u32 @!p1 s17, $0x4  }
0x2b: {  	s18 =	sand.u32 @!p1 $0x2000, s18;
	s17 =	sadd.s32 @!p1 s17, s19;
	s19 =	simm.s32 @!p1 $0x40  }
0x2c: {  	[tilespmem:s18], [sflag:$0x1] =	stream.strided.gather @!p1 [hbm4b:s17+s19], $0x2000, s20, s19, $0x38;
	[tilespmem:$0x8080] =	vst v63  }
0x2d: {  	p1 =	sge.u32 s31, s6  }
.Ltmp2:
0x2e: {  	_ = 	snop;
	(pc) =	sbr.rel @p1 .LBB1_5-.Ltmp2, $1  }
0x2f: {  	_ =	sdelay $0x3  }
0x30: {  	s17 =	simm.s32 $0x1  }
0x31: {  	_ =	swait.ge [sflag:s5], $0x2000;
	s17 =	simm.s32 @!p0 $0x0  }
0x32: {  	[sflag:s5] =	ssyncset.done $0x0;
	s18 =	sshll.u32 s17, $0xD  }
0x33: {  	[sflag:s5] =	ssyncadd.s32 $0xFFFFE000;
	s21 =	sor.u32 $0x20, s18  }
0x34: {  	s17 =	smul.u32 $0x8100, s17;
	v3 =	vld [tilespmem:s21+$0x10]  }
0x35: {  	s30 =	sand.u32 $0x1, s13;
	v2 =	vld [tilespmem:s21+$0xFFFFFFF0]  }
0x36: {  	s18 =	smul.u32 $0x8100, s30;
	s17 =	sshrl.u32 s17, $0x2;
	v0 =	vld [tilespmem:s21+$0x0]  }
0x37: {  	v1 =	vld [tilespmem:s21+$0xFFFFFFE0];
	s19 =	sor.u32 $0x4000, s17  }
0x38: {  	s31 =	sshrl.u32 s18, $0x2;
	s18 =	sadd.s32 $0x0, s19  }
0x39: {  	s20 =	simm.s32 $0x4;
	s21 =	sadd.s32 $0x40, s21;
	s17 =	sor.u32 $0x4000, s31;
	[tilespmem:s18+$0x1830 ss:$0x81] =	vst.msk $0xffff, v3  }
.LBB1_3:
0x3a: {  	v3 =	vld [tilespmem:s21+$0x10];
	p1 =	sne.s32 s20, $0x1FC;
	[tilespmem:s18+$0x810 ss:$0x81] =	vst.msk $0xffff, v2;
	s22 =	smov.u32 s20;
	s20 =	sadd.s32 $0x4, s20  }
.Ltmp3:
0x3b: {  	v2 =	vld [tilespmem:s21+$0xFFFFFFF0];
	[tilespmem:s18+$0x1020 ss:$0x81] =	vst.msk $0xffff, v0;
	(pc) =	sbr.rel @p1 .LBB1_3-.Ltmp3, $4  }
0x3c: {  	v0 =	vld [tilespmem:s21+$0x0];
	[tilespmem:s18+$0x0 ss:$0x81] =	vst.msk $0xffff, v1  }
0x3d: {  	s18 =	sshra.s32 s22, $0x2;
	v1 =	vld [tilespmem:s21+$0xFFFFFFE0]  }
0x3e: {  	s18 =	sadd.s32 s18, s19  }
0x3f: {  	s21 =	sadd.s32 $0x40, s21;
	[tilespmem:s18+$0x1830 ss:$0x81] =	vst.msk $0xffff, v3  }
.Ltmp4:
0x40: {  	_ = 	snop;
	(pc) =	sbr.rel .LBB1_4-.Ltmp4, $1  }
0x41: {  	_ =	sdelay $0x3  }
.LBB1_6:
0x42: {  	_ =	sfence.sel $0x180000  }
0x43: {  	s1 =	simm.s32 $0x1;
	[bflag:$0x0] =	sbarrier.arrive $0xFFFF  }
0x44: {  	s31 =	simm.s32 $0x2;
	[sflag:s1] =	ssyncpa.u1 $0x1  }
0x45: {  	[sflag:s31] =	ssyncpa.u1 $0x1  }
0x46: {  	p0 =	sne.s32 s0, $0x0;
	_ =	strace $0x9000004A  }
0x47: {  	s0 =	sadd.s32 @!p0 $0x100000, s3;
	[bflag:$0x2] =	sbarrier.arrive $0xFFFF  }
0x48: {  	[sflag:s0] =	ssyncadd.tile.s32 @!p0 $0x1;
	_ =	shalt  }
.Lfunc_end1:
_tile_overlayer_lowered:
.L_overlay_start_2:
0x49: {  	(tag) =	ssettag $0x2  }
0x4a: {  	s0 =	rddreg [dreg:$0x0];
	s2 =	stileid.u32  }
0x4b: {  	s1 =	rddreg [dreg:$0x1];
	p0 =	sne.s32 s2, $0x0  }
0x4c: {  	s3 =	rddreg [dreg:$0x2];
	[bflag:$0x3] =	sbarrier.arrive $0xFFFF;
	s2 =	simm.s32 @!p0 $0x1C01  }
0x4d: {  	[timem:s3], [sflag:s2] =	dma.local @!p0 [hbm:s0], s1  }
0x4e: {  	s0 =	simm.s32 @!p0 $0x1  }
0x4f: {  	_ =	swait.ge @!p0 [sflag:s0], s1  }
0x50: {  	s1 =	ssub.s32 @!p0 $0x0, s1;
	[sflag:s0] =	ssyncset.done @!p0 $0x0  }
0x51: {  	[sflag:s0] =	ssyncadd.s32 @!p0 s1  }
0x52: {  	[bflag:$0x3] =	sbarrier.arrive $0xFFFF  }
0x53: {  	_ =	shalt  }

</sc_bundles>
